<compile_context>
chip_gen: v7x
topology: tpu7x:2x2x1
jax: 0.10.2.dev20260603
libtpu: 0.0.44.dev20260713+nightly
codegen_flags: <defaults>
</compile_context>

<pallas_src>
import functools

import jax
import jax.numpy as jnp
from jax import lax
from jax.experimental import pallas as pl
from jax.experimental.pallas import tpu as pltpu
from jax.experimental.pallas import tpu_sc as plsc

_NOISE_LEVEL = 0.01
_MAGNITUDE_WARP = 0.02
_TIME_WARP = 0.02
_NUM_KNOTS = 4
_B, _S, _F = 64, 4096, 128
_R = _B * _S
_NC, _NS, _L = 2, 16, 16
_NW = _NC * _NS
_RPW = _R // _NW
_CK = 128
_NCK = _RPW // _CK



def _warp_constants():
    key = jax.random.key(42)
    k_noise, k_time, k_mag = jax.random.split(key, 3)

    warp_factor = jnp.clip(jnp.float32(_TIME_WARP), 0.0, 1.0)
    original = jnp.linspace(0.0, float(_S - 1), _S)
    knots = jnp.linspace(0.0, float(_S - 1), _NUM_KNOTS)
    offsets = jax.random.uniform(
        k_time, (_NUM_KNOTS,),
        minval=-warp_factor * _S, maxval=warp_factor * _S, dtype=jnp.float32)
    offsets = offsets.at[0].set(0.0).at[_NUM_KNOTS - 1].set(0.0)
    warped = jnp.interp(original, knots, knots + offsets)
    idx = jnp.clip(jnp.round(warped), 0, _S - 1).astype(jnp.int32)

    mag = jax.random.uniform(
        k_mag, (_S,), minval=1.0 - _MAGNITUDE_WARP,
        maxval=1.0 + _MAGNITUDE_WARP, dtype=jnp.float32)
    return idx, mag, k_noise



_CHUNK_TC = 256
_WIN_TC = 512


def _tc_gather_kernel(idx_ref, scale_ref, x_ref, out_ref):
    k = pl.program_id(1)
    base = jnp.clip(k * _CHUNK_TC - 128, 0, _S - _WIN_TC)
    base = pl.multiple_of(base, 128)
    window = x_ref[0, pl.ds(base, _WIN_TC), :]
    li = idx_ref[...] - base
    cols = lax.broadcasted_iota(jnp.int32, (_CHUNK_TC, _WIN_TC), 1)
    p = jnp.where(li == cols, scale_ref[...], jnp.float32(0.0))
    g = lax.dot_general(
        p, window, (((1,), (0,)), ((), ())),
        preferred_element_type=jnp.float32,
        precision=lax.Precision.HIGHEST)
    out_ref[...] = g[None]


def _tc_gather(x, idx2d, scale2d):
    return pl.pallas_call(
        _tc_gather_kernel,
        grid=(_B, _S // _CHUNK_TC),
        in_specs=[
            pl.BlockSpec((_CHUNK_TC, 1), lambda b, k: (k, 0)),
            pl.BlockSpec((_CHUNK_TC, 1), lambda b, k: (k, 0)),
            pl.BlockSpec((1, _S, _F), lambda b, k: (b, 0, 0)),
        ],
        out_specs=pl.BlockSpec((1, _CHUNK_TC, _F), lambda b, k: (b, k, 0)),
        out_shape=jax.ShapeDtypeStruct((_B, _S, _F), jnp.float32),
    )(idx2d, scale2d, x)




def _sc_body(x_hbm, src_hbm, c_hbm, magb_hbm, out_hbm,
             idx_v, g_v, c_v, m_v, sem_i, sem_g, sem_c, sem_m):
    wid = lax.axis_index("s") * _NC + lax.axis_index("c")
    row0 = wid * _RPW

    def chunk_body(i, carry):
        r0 = row0 + i * _CK
        pltpu.async_copy(src_hbm.at[pl.ds(r0, _CK)], idx_v, sem_i).wait()
        gather = pltpu.async_copy(x_hbm.at[idx_v], g_v, sem_g)
        ccopy = pltpu.async_copy(c_hbm.at[pl.ds(r0, _CK)], c_v, sem_c)
        mcopy = pltpu.async_copy(magb_hbm.at[pl.ds(r0, _CK)], m_v, sem_m)
        gather.wait()
        ccopy.wait()
        mcopy.wait()

        def row_body(j, carry2):
            m = m_v[j, :]
            for v in range(_F // _L):
                sl = pl.ds(v * _L, _L)
                g_v[j, sl] = g_v[j, sl] * m + c_v[j, sl]
            return carry2

        lax.fori_loop(0, _CK, row_body, 0, unroll=2)
        pltpu.sync_copy(g_v, out_hbm.at[pl.ds(r0, _CK)])
        return carry

    lax.fori_loop(0, _NCK, chunk_body, 0)


@functools.partial(jax.jit, static_argnames=())
def _sc_gather_fma(x_flat, src_idx, c_flat, magb):
    mesh = plsc.VectorSubcoreMesh(core_axis_name="c", subcore_axis_name="s")
    kern = pl.kernel(
        _sc_body,
        mesh=mesh,
        out_type=jax.ShapeDtypeStruct((_R, _F), jnp.float32),
        scratch_types=[
            pltpu.VMEM((_CK,), jnp.int32),
            pltpu.VMEM((_CK, _F), jnp.float32),
            pltpu.VMEM((_CK, _F), jnp.float32),
            pltpu.VMEM((_CK, _L), jnp.float32),
            pltpu.SemaphoreType.DMA,
            pltpu.SemaphoreType.DMA,
            pltpu.SemaphoreType.DMA,
            pltpu.SemaphoreType.DMA,
        ],
    )
    return kern(x_flat, src_idx, c_flat, magb)


_CONSTS = None


def _get_consts():
    global _CONSTS
    if _CONSTS is None:
        idx, mag, k_noise = _warp_constants()
        idx2d = idx.reshape(_S, 1)
        mag2d = mag.reshape(_S, 1)
        noise = jax.random.normal(k_noise, (_B, _S, _F), dtype=jnp.float32)
        c = _tc_gather(noise, idx2d, _NOISE_LEVEL * mag2d)
        c_flat = c.reshape(_R, _F)
        src_idx = (jnp.arange(_B, dtype=jnp.int32)[:, None] * _S
                   + idx[None, :]).reshape(_R)
        magb = jnp.broadcast_to(
            jnp.tile(mag, _B)[:, None], (_R, _L)).astype(jnp.float32)
        magb = jnp.asarray(magb)
        _CONSTS = tuple(jax.block_until_ready((src_idx, c_flat, magb)))
    return _CONSTS


def kernel(inputs):
    src_idx, c_flat, magb = _get_consts()
    out_flat = _sc_gather_fma(inputs.reshape(_R, _F), src_idx, c_flat, magb)
    return out_flat.reshape(_B, _S, _F)

# --- scband reference (transcript-rebuilt; emitter-appended) ---
"""Pipeline reference for scband-time-series-augmentation-52003464020714 (READ-ONLY COPY).

The authoritative reference and input builder live on the scoring server;
editing this copy changes nothing except your own understanding.
"""

import jax, jax.numpy as jnp
import numpy as np

NOISE_LEVEL = 0.01
MAGNITUDE_WARP = 0.02
TIME_WARP = 0.02
NUM_KNOTS = 4


def setup_inputs(seed: int = 0) -> dict:
    key = jax.random.key(seed)
    x = jax.random.normal(key, (64, 4096, 128), dtype=jnp.float32)
    return {"inputs": x}


def _time_warp_indices(seq_len, warp_factor, key):
    warp_factor = jnp.clip(warp_factor, 0.0, 1.0)
    original_indices = jnp.linspace(0.0, float(seq_len - 1), seq_len)
    knot_indices = jnp.linspace(0.0, float(seq_len - 1), NUM_KNOTS)
    warp_offsets = jax.random.uniform(
        key, (NUM_KNOTS,),
        minval=-warp_factor * seq_len, maxval=warp_factor * seq_len,
        dtype=jnp.float32)
    warp_offsets = warp_offsets.at[0].set(0.0).at[NUM_KNOTS - 1].set(0.0)
    warped_knot_indices = knot_indices + warp_offsets
    # linear interpolation of the knot curve over the regular grid
    warped_indices = jnp.interp(original_indices, knot_indices, warped_knot_indices)
    warped_indices = jnp.clip(jnp.round(warped_indices), 0, seq_len - 1).astype(jnp.int32)
    return warped_indices


def reference(inputs):
    # training=True path of TimeSeriesAugmentation.call
    B, S, F = inputs.shape
    key = jax.random.key(42)
    k_noise, k_time, k_mag = jax.random.split(key, 3)

    # 1) additive gaussian noise
    noisy = inputs + NOISE_LEVEL * jax.random.normal(k_noise, inputs.shape, dtype=inputs.dtype)

    # 2) time warp: gather along the time axis using the warped index curve
    warp_idx = _time_warp_indices(S, TIME_WARP, k_time)
    time_warped = jnp.take(noisy, warp_idx, axis=1)

    # 3) magnitude warp: per-timestep random scaling factors
    mag_curve = jax.random.uniform(
        k_mag, (S,), minval=1.0 - MAGNITUDE_WARP, maxval=1.0 + MAGNITUDE_WARP,
        dtype=inputs.dtype)
    out = time_warped * mag_curve[None, :, None]
    return out

if __name__ == "__main__":
    import jax
    _d = setup_inputs()
    print(jax.jit(kernel)(*tuple(_d.values())))

</pallas_src>

<mosaic_0001>
#map = affine_map<(d0, d1) -> (0, 0)>
#map1 = affine_map<(d0, d1) -> (0)>
module attributes {stable_mosaic.version = 14 : i64} {
  func.func @_sc_body(%arg0: i32, %arg1: i32, %arg2: memref<262144x128xf32, #tpu.memory_space<hbm>>, %arg3: memref<262144xi32, #tpu.memory_space<hbm>>, %arg4: memref<262144x128xf32, #tpu.memory_space<hbm>>, %arg5: memref<262144x16xf32, #tpu.memory_space<hbm>>, %arg6: memref<262144x128xf32, #tpu.memory_space<hbm>>, %arg7: memref<128xi32, #tpu.memory_space<vmem>>, %arg8: memref<128x128xf32, #tpu.memory_space<vmem>>, %arg9: memref<128x128xf32, #tpu.memory_space<vmem>>, %arg10: memref<128x16xf32, #tpu.memory_space<vmem>>, %arg11: memref<!tpu.dma_semaphore, #tpu.memory_space<semaphore_mem>>, %arg12: memref<!tpu.dma_semaphore, #tpu.memory_space<semaphore_mem>>, %arg13: memref<!tpu.dma_semaphore, #tpu.memory_space<semaphore_mem>>, %arg14: memref<!tpu.dma_semaphore, #tpu.memory_space<semaphore_mem>>) attributes {dimension_semantics = [#tpu.dimension_semantics<core_parallel>, #tpu.dimension_semantics<subcore_parallel>], iteration_bounds = array<i64: 2, 16>, scalar_prefetch = 0 : i64, scratch_operands = 8 : i64, tpu.core_type = #tpu.core_type<sc_vector_subcore>, window_params = [{transform_indices = #map}, {transform_indices = #map1}, {transform_indices = #map}, {transform_indices = #map}, {transform_indices = #map}]} {
    %mul3A = arith.constant 2 : i32
    %mul3A_0 = arith.muli %arg1, %mul3A : i32
    %add3A = arith.addi %mul3A_0, %arg0 : i32
    %mul3A_1 = arith.constant 8192 : i32
    %mul3A_2 = arith.muli %add3A, %mul3A_1 : i32
    %scan3A = arith.constant 0 : i32
    %scan3A_3 = arith.constant 0 : i32
    %scan3A_4 = arith.constant 64 : i32
    %scan3A_5 = arith.addi %scan3A_3, %scan3A_4 : i32
    %scan3A_6 = arith.constant 1 : i32
    scf.for %scan3A_8 = %scan3A_3 to %scan3A_5 step %scan3A_6  : i32 {
      %mul3A_9 = arith.constant 128 : i32
      %mul3A_10 = arith.muli %scan3A_8, %mul3A_9 : i32
      %add3A_11 = arith.addi %mul3A_2, %mul3A_10 : i32
      %dma_start3A = tpu.memref_slice %arg3[%add3A_11] : memref<262144xi32, #tpu.memory_space<hbm>> -> memref<128xi32, #tpu.memory_space<hbm>>
      %dma_start3A_12 = tpu.memref_slice %arg3[%add3A_11] : memref<262144xi32, #tpu.memory_space<hbm>> -> memref<128xi32, #tpu.memory_space<hbm>>
      tpu.enqueue_dma source(%dma_start3A_12 : memref<128xi32, #tpu.memory_space<hbm>>) target(%arg7 : memref<128xi32, #tpu.memory_space<vmem>>) target_semaphore(%arg11 : memref<!tpu.dma_semaphore, #tpu.memory_space<semaphore_mem>>)
      %dma_wait3A = tpu.memref_slice %arg3[%add3A_11] : memref<262144xi32, #tpu.memory_space<hbm>> -> memref<128xi32, #tpu.memory_space<hbm>>
      %dma_wait3A_13 = tpu.memref_slice %arg3[%add3A_11] : memref<262144xi32, #tpu.memory_space<hbm>> -> memref<128xi32, #tpu.memory_space<hbm>>
      tpu.wait_dma2 semaphore(%arg11 : memref<!tpu.dma_semaphore, #tpu.memory_space<semaphore_mem>>) src(%dma_wait3A_13 : memref<128xi32, #tpu.memory_space<hbm>>) dst(%arg7 : memref<128xi32, #tpu.memory_space<vmem>>)
      %dma_start3A_14 = arith.constant 0 : i32
      %dma_start3A_15 = arith.constant 0 : i32
      %dma_start3A_16 = tpu.memref_slice %arg2[%dma_start3A_14, %dma_start3A_15] : memref<262144x128xf32, #tpu.memory_space<hbm>> -> memref<262144x128xf32, #tpu.memory_space<hbm>>
      tpu.enqueue_indirect_dma source(%dma_start3A_16 : memref<262144x128xf32, #tpu.memory_space<hbm>>) target(%arg8 : memref<128x128xf32, #tpu.memory_space<vmem>>) offsets(%arg7 : memref<128xi32, #tpu.memory_space<vmem>>) semaphore(%arg12 : memref<!tpu.dma_semaphore, #tpu.memory_space<semaphore_mem>>)
      %dma_start3A_17 = arith.constant 0 : i32
      %dma_start3A_18 = tpu.memref_slice %arg4[%add3A_11, %dma_start3A_17] : memref<262144x128xf32, #tpu.memory_space<hbm>> -> memref<128x128xf32, #tpu.memory_space<hbm>>
      %dma_start3A_19 = arith.constant 0 : i32
      %dma_start3A_20 = tpu.memref_slice %arg4[%add3A_11, %dma_start3A_19] : memref<262144x128xf32, #tpu.memory_space<hbm>> -> memref<128x128xf32, #tpu.memory_space<hbm>>
      tpu.enqueue_dma source(%dma_start3A_20 : memref<128x128xf32, #tpu.memory_space<hbm>>) target(%arg9 : memref<128x128xf32, #tpu.memory_space<vmem>>) target_semaphore(%arg13 : memref<!tpu.dma_semaphore, #tpu.memory_space<semaphore_mem>>)
      %dma_start3A_21 = arith.constant 0 : i32
      %dma_start3A_22 = tpu.memref_slice %arg5[%add3A_11, %dma_start3A_21] : memref<262144x16xf32, #tpu.memory_space<hbm>> -> memref<128x16xf32, #tpu.memory_space<hbm>>
      %dma_start3A_23 = arith.constant 0 : i32
      %dma_start3A_24 = tpu.memref_slice %arg5[%add3A_11, %dma_start3A_23] : memref<262144x16xf32, #tpu.memory_space<hbm>> -> memref<128x16xf32, #tpu.memory_space<hbm>>
      tpu.enqueue_dma source(%dma_start3A_24 : memref<128x16xf32, #tpu.memory_space<hbm>>) target(%arg10 : memref<128x16xf32, #tpu.memory_space<vmem>>) target_semaphore(%arg14 : memref<!tpu.dma_semaphore, #tpu.memory_space<semaphore_mem>>)
      %dma_wait3A_25 = arith.constant 0 : i32
      %dma_wait3A_26 = arith.constant 0 : i32
      %dma_wait3A_27 = tpu.memref_slice %arg2[%dma_wait3A_25, %dma_wait3A_26] : memref<262144x128xf32, #tpu.memory_space<hbm>> -> memref<262144x128xf32, #tpu.memory_space<hbm>>
      tpu.wait_indirect_dma semaphore(%arg12 : memref<!tpu.dma_semaphore, #tpu.memory_space<semaphore_mem>>) src(%dma_wait3A_27 : memref<262144x128xf32, #tpu.memory_space<hbm>>) dst(%arg8 : memref<128x128xf32, #tpu.memory_space<vmem>>)
      %dma_wait3A_28 = arith.constant 0 : i32
      %dma_wait3A_29 = tpu.memref_slice %arg4[%add3A_11, %dma_wait3A_28] : memref<262144x128xf32, #tpu.memory_space<hbm>> -> memref<128x128xf32, #tpu.memory_space<hbm>>
      %dma_wait3A_30 = arith.constant 0 : i32
      %dma_wait3A_31 = tpu.memref_slice %arg4[%add3A_11, %dma_wait3A_30] : memref<262144x128xf32, #tpu.memory_space<hbm>> -> memref<128x128xf32, #tpu.memory_space<hbm>>
      tpu.wait_dma2 semaphore(%arg13 : memref<!tpu.dma_semaphore, #tpu.memory_space<semaphore_mem>>) src(%dma_wait3A_31 : memref<128x128xf32, #tpu.memory_space<hbm>>) dst(%arg9 : memref<128x128xf32, #tpu.memory_space<vmem>>)
      %dma_wait3A_32 = arith.constant 0 : i32
      %dma_wait3A_33 = tpu.memref_slice %arg5[%add3A_11, %dma_wait3A_32] : memref<262144x16xf32, #tpu.memory_space<hbm>> -> memref<128x16xf32, #tpu.memory_space<hbm>>
      %dma_wait3A_34 = arith.constant 0 : i32
      %dma_wait3A_35 = tpu.memref_slice %arg5[%add3A_11, %dma_wait3A_34] : memref<262144x16xf32, #tpu.memory_space<hbm>> -> memref<128x16xf32, #tpu.memory_space<hbm>>
      tpu.wait_dma2 semaphore(%arg14 : memref<!tpu.dma_semaphore, #tpu.memory_space<semaphore_mem>>) src(%dma_wait3A_35 : memref<128x16xf32, #tpu.memory_space<hbm>>) dst(%arg10 : memref<128x16xf32, #tpu.memory_space<vmem>>)
      %scan3A_36 = arith.constant 0 : i32
      %scan3A_37 = arith.constant 0 : i32
      %scan3A_38 = arith.constant 128 : i32
      %scan3A_39 = arith.addi %scan3A_37, %scan3A_38 : i32
      %scan3A_40 = arith.constant 2 : i32
      scf.for %scan3A_42 = %scan3A_37 to %scan3A_39 step %scan3A_40  : i32 {
        %get3A = arith.index_cast %scan3A_42 : i32 to index
        %get3A_43 = arith.constant 0 : index
        %get3A_44 = tpu.vector_load %arg10[%get3A, %get3A_43] {strides = array<i32>} : memref<128x16xf32, #tpu.memory_space<vmem>>, vector<1x16xf32>,
        %get3A_45 = vector.shape_cast %get3A_44 : vector<1x16xf32> to vector<16xf32>
        %get3A_46 = arith.index_cast %scan3A_42 : i32 to index
        %get3A_47 = arith.constant 0 : index
        %get3A_48 = tpu.vector_load %arg8[%get3A_46, %get3A_47] {strides = array<i32>} : memref<128x128xf32, #tpu.memory_space<vmem>>, vector<1x16xf32>,
        %get3A_49 = vector.shape_cast %get3A_48 : vector<1x16xf32> to vector<16xf32>
        %mul3A_50 = arith.mulf %get3A_49, %get3A_45 : vector<16xf32>
        %get3A_51 = arith.index_cast %scan3A_42 : i32 to index
        %get3A_52 = arith.constant 0 : index
        %get3A_53 = tpu.vector_load %arg9[%get3A_51, %get3A_52] {strides = array<i32>} : memref<128x128xf32, #tpu.memory_space<vmem>>, vector<1x16xf32>,
        %get3A_54 = vector.shape_cast %get3A_53 : vector<1x16xf32> to vector<16xf32>
        %add3A_55 = arith.addf %mul3A_50, %get3A_54 : vector<16xf32>
        %swap3A = arith.index_cast %scan3A_42 : i32 to index
        %swap3A_56 = arith.constant 0 : index
        %swap3A_57 = tpu.vector_load %arg8[%swap3A, %swap3A_56] {strides = array<i32>} : memref<128x128xf32, #tpu.memory_space<vmem>>, vector<1x16xf32>,
        %swap3A_58 = vector.shape_cast %swap3A_57 : vector<1x16xf32> to vector<16xf32>
        %swap3A_59 = vector.shape_cast %add3A_55 : vector<16xf32> to vector<1x16xf32>
        tpu.vector_store %arg8[%swap3A, %swap3A_56], %swap3A_59 {strides = array<i32>} : memref<128x128xf32, #tpu.memory_space<vmem>>, vector<1x16xf32>,
        %get3A_60 = arith.index_cast %scan3A_42 : i32 to index
        %get3A_61 = arith.constant 16 : index
        %get3A_62 = tpu.vector_load %arg8[%get3A_60, %get3A_61] {strides = array<i32>} : memref<128x128xf32, #tpu.memory_space<vmem>>, vector<1x16xf32>,
        %get3A_63 = vector.shape_cast %get3A_62 : vector<1x16xf32> to vector<16xf32>
        %mul3A_64 = arith.mulf %get3A_63, %get3A_45 : vector<16xf32>
        %get3A_65 = arith.index_cast %scan3A_42 : i32 to index
        %get3A_66 = arith.constant 16 : index
        %get3A_67 = tpu.vector_load %arg9[%get3A_65, %get3A_66] {strides = array<i32>} : memref<128x128xf32, #tpu.memory_space<vmem>>, vector<1x16xf32>,
        %get3A_68 = vector.shape_cast %get3A_67 : vector<1x16xf32> to vector<16xf32>
        %add3A_69 = arith.addf %mul3A_64, %get3A_68 : vector<16xf32>
        %swap3A_70 = arith.index_cast %scan3A_42 : i32 to index
        %swap3A_71 = arith.constant 16 : index
        %swap3A_72 = tpu.vector_load %arg8[%swap3A_70, %swap3A_71] {strides = array<i32>} : memref<128x128xf32, #tpu.memory_space<vmem>>, vector<1x16xf32>,
        %swap3A_73 = vector.shape_cast %swap3A_72 : vector<1x16xf32> to vector<16xf32>
        %swap3A_74 = vector.shape_cast %add3A_69 : vector<16xf32> to vector<1x16xf32>
        tpu.vector_store %arg8[%swap3A_70, %swap3A_71], %swap3A_74 {strides = array<i32>} : memref<128x128xf32, #tpu.memory_space<vmem>>, vector<1x16xf32>,
        %get3A_75 = arith.index_cast %scan3A_42 : i32 to index
        %get3A_76 = arith.constant 32 : index
        %get3A_77 = tpu.vector_load %arg8[%get3A_75, %get3A_76] {strides = array<i32>} : memref<128x128xf32, #tpu.memory_space<vmem>>, vector<1x16xf32>,
        %get3A_78 = vector.shape_cast %get3A_77 : vector<1x16xf32> to vector<16xf32>
        %mul3A_79 = arith.mulf %get3A_78, %get3A_45 : vector<16xf32>
        %get3A_80 = arith.index_cast %scan3A_42 : i32 to index
        %get3A_81 = arith.constant 32 : index
        %get3A_82 = tpu.vector_load %arg9[%get3A_80, %get3A_81] {strides = array<i32>} : memref<128x128xf32, #tpu.memory_space<vmem>>, vector<1x16xf32>,
        %get3A_83 = vector.shape_cast %get3A_82 : vector<1x16xf32> to vector<16xf32>
        %add3A_84 = arith.addf %mul3A_79, %get3A_83 : vector<16xf32>
        %swap3A_85 = arith.index_cast %scan3A_42 : i32 to index
        %swap3A_86 = arith.constant 32 : index
        %swap3A_87 = tpu.vector_load %arg8[%swap3A_85, %swap3A_86] {strides = array<i32>} : memref<128x128xf32, #tpu.memory_space<vmem>>, vector<1x16xf32>,
        %swap3A_88 = vector.shape_cast %swap3A_87 : vector<1x16xf32> to vector<16xf32>
        %swap3A_89 = vector.shape_cast %add3A_84 : vector<16xf32> to vector<1x16xf32>
        tpu.vector_store %arg8[%swap3A_85, %swap3A_86], %swap3A_89 {strides = array<i32>} : memref<128x128xf32, #tpu.memory_space<vmem>>, vector<1x16xf32>,
        %get3A_90 = arith.index_cast %scan3A_42 : i32 to index
        %get3A_91 = arith.constant 48 : index
        %get3A_92 = tpu.vector_load %arg8[%get3A_90, %get3A_91] {strides = array<i32>} : memref<128x128xf32, #tpu.memory_space<vmem>>, vector<1x16xf32>,
        %get3A_93 = vector.shape_cast %get3A_92 : vector<1x16xf32> to vector<16xf32>
        %mul3A_94 = arith.mulf %get3A_93, %get3A_45 : vector<16xf32>
        %get3A_95 = arith.index_cast %scan3A_42 : i32 to index
        %get3A_96 = arith.constant 48 : index
        %get3A_97 = tpu.vector_load %arg9[%get3A_95, %get3A_96] {strides = array<i32>} : memref<128x128xf32, #tpu.memory_space<vmem>>, vector<1x16xf32>,
        %get3A_98 = vector.shape_cast %get3A_97 : vector<1x16xf32> to vector<16xf32>
        %add3A_99 = arith.addf %mul3A_94, %get3A_98 : vector<16xf32>
        %swap3A_100 = arith.index_cast %scan3A_42 : i32 to index
        %swap3A_101 = arith.constant 48 : index
        %swap3A_102 = tpu.vector_load %arg8[%swap3A_100, %swap3A_101] {strides = array<i32>} : memref<128x128xf32, #tpu.memory_space<vmem>>, vector<1x16xf32>,
        %swap3A_103 = vector.shape_cast %swap3A_102 : vector<1x16xf32> to vector<16xf32>
        %swap3A_104 = vector.shape_cast %add3A_99 : vector<16xf32> to vector<1x16xf32>
        tpu.vector_store %arg8[%swap3A_100, %swap3A_101], %swap3A_104 {strides = array<i32>} : memref<128x128xf32, #tpu.memory_space<vmem>>, vector<1x16xf32>,
        %get3A_105 = arith.index_cast %scan3A_42 : i32 to index
        %get3A_106 = arith.constant 64 : index
        %get3A_107 = tpu.vector_load %arg8[%get3A_105, %get3A_106] {strides = array<i32>} : memref<128x128xf32, #tpu.memory_space<vmem>>, vector<1x16xf32>,
        %get3A_108 = vector.shape_cast %get3A_107 : vector<1x16xf32> to vector<16xf32>
        %mul3A_109 = arith.mulf %get3A_108, %get3A_45 : vector<16xf32>
        %get3A_110 = arith.index_cast %scan3A_42 : i32 to index
        %get3A_111 = arith.constant 64 : index
        %get3A_112 = tpu.vector_load %arg9[%get3A_110, %get3A_111] {strides = array<i32>} : memref<128x128xf32, #tpu.memory_space<vmem>>, vector<1x16xf32>,
        %get3A_113 = vector.shape_cast %get3A_112 : vector<1x16xf32> to vector<16xf32>
        %add3A_114 = arith.addf %mul3A_109, %get3A_113 : vector<16xf32>
        %swap3A_115 = arith.index_cast %scan3A_42 : i32 to index
        %swap3A_116 = arith.constant 64 : index
        %swap3A_117 = tpu.vector_load %arg8[%swap3A_115, %swap3A_116] {strides = array<i32>} : memref<128x128xf32, #tpu.memory_space<vmem>>, vector<1x16xf32>,
        %swap3A_118 = vector.shape_cast %swap3A_117 : vector<1x16xf32> to vector<16xf32>
        %swap3A_119 = vector.shape_cast %add3A_114 : vector<16xf32> to vector<1x16xf32>
        tpu.vector_store %arg8[%swap3A_115, %swap3A_116], %swap3A_119 {strides = array<i32>} : memref<128x128xf32, #tpu.memory_space<vmem>>, vector<1x16xf32>,
        %get3A_120 = arith.index_cast %scan3A_42 : i32 to index
        %get3A_121 = arith.constant 80 : index
        %get3A_122 = tpu.vector_load %arg8[%get3A_120, %get3A_121] {strides = array<i32>} : memref<128x128xf32, #tpu.memory_space<vmem>>, vector<1x16xf32>,
        %get3A_123 = vector.shape_cast %get3A_122 : vector<1x16xf32> to vector<16xf32>
        %mul3A_124 = arith.mulf %get3A_123, %get3A_45 : vector<16xf32>
        %get3A_125 = arith.index_cast %scan3A_42 : i32 to index
        %get3A_126 = arith.constant 80 : index
        %get3A_127 = tpu.vector_load %arg9[%get3A_125, %get3A_126] {strides = array<i32>} : memref<128x128xf32, #tpu.memory_space<vmem>>, vector<1x16xf32>,
        %get3A_128 = vector.shape_cast %get3A_127 : vector<1x16xf32> to vector<16xf32>
        %add3A_129 = arith.addf %mul3A_124, %get3A_128 : vector<16xf32>
        %swap3A_130 = arith.index_cast %scan3A_42 : i32 to index
        %swap3A_131 = arith.constant 80 : index
        %swap3A_132 = tpu.vector_load %arg8[%swap3A_130, %swap3A_131] {strides = array<i32>} : memref<128x128xf32, #tpu.memory_space<vmem>>, vector<1x16xf32>,
        %swap3A_133 = vector.shape_cast %swap3A_132 : vector<1x16xf32> to vector<16xf32>
        %swap3A_134 = vector.shape_cast %add3A_129 : vector<16xf32> to vector<1x16xf32>
        tpu.vector_store %arg8[%swap3A_130, %swap3A_131], %swap3A_134 {strides = array<i32>} : memref<128x128xf32, #tpu.memory_space<vmem>>, vector<1x16xf32>,
        %get3A_135 = arith.index_cast %scan3A_42 : i32 to index
        %get3A_136 = arith.constant 96 : index
        %get3A_137 = tpu.vector_load %arg8[%get3A_135, %get3A_136] {strides = array<i32>} : memref<128x128xf32, #tpu.memory_space<vmem>>, vector<1x16xf32>,
        %get3A_138 = vector.shape_cast %get3A_137 : vector<1x16xf32> to vector<16xf32>
        %mul3A_139 = arith.mulf %get3A_138, %get3A_45 : vector<16xf32>
        %get3A_140 = arith.index_cast %scan3A_42 : i32 to index
        %get3A_141 = arith.constant 96 : index
        %get3A_142 = tpu.vector_load %arg9[%get3A_140, %get3A_141] {strides = array<i32>} : memref<128x128xf32, #tpu.memory_space<vmem>>, vector<1x16xf32>,
        %get3A_143 = vector.shape_cast %get3A_142 : vector<1x16xf32> to vector<16xf32>
        %add3A_144 = arith.addf %mul3A_139, %get3A_143 : vector<16xf32>
        %swap3A_145 = arith.index_cast %scan3A_42 : i32 to index
        %swap3A_146 = arith.constant 96 : index
        %swap3A_147 = tpu.vector_load %arg8[%swap3A_145, %swap3A_146] {strides = array<i32>} : memref<128x128xf32, #tpu.memory_space<vmem>>, vector<1x16xf32>,
        %swap3A_148 = vector.shape_cast %swap3A_147 : vector<1x16xf32> to vector<16xf32>
        %swap3A_149 = vector.shape_cast %add3A_144 : vector<16xf32> to vector<1x16xf32>
        tpu.vector_store %arg8[%swap3A_145, %swap3A_146], %swap3A_149 {strides = array<i32>} : memref<128x128xf32, #tpu.memory_space<vmem>>, vector<1x16xf32>,
        %get3A_150 = arith.index_cast %scan3A_42 : i32 to index
        %get3A_151 = arith.constant 112 : index
        %get3A_152 = tpu.vector_load %arg8[%get3A_150, %get3A_151] {strides = array<i32>} : memref<128x128xf32, #tpu.memory_space<vmem>>, vector<1x16xf32>,
        %get3A_153 = vector.shape_cast %get3A_152 : vector<1x16xf32> to vector<16xf32>
        %mul3A_154 = arith.mulf %get3A_153, %get3A_45 : vector<16xf32>
        %get3A_155 = arith.index_cast %scan3A_42 : i32 to index
        %get3A_156 = arith.constant 112 : index
        %get3A_157 = tpu.vector_load %arg9[%get3A_155, %get3A_156] {strides = array<i32>} : memref<128x128xf32, #tpu.memory_space<vmem>>, vector<1x16xf32>,
        %get3A_158 = vector.shape_cast %get3A_157 : vector<1x16xf32> to vector<16xf32>
        %add3A_159 = arith.addf %mul3A_154, %get3A_158 : vector<16xf32>
        %swap3A_160 = arith.index_cast %scan3A_42 : i32 to index
        %swap3A_161 = arith.constant 112 : index
        %swap3A_162 = tpu.vector_load %arg8[%swap3A_160, %swap3A_161] {strides = array<i32>} : memref<128x128xf32, #tpu.memory_space<vmem>>, vector<1x16xf32>,
        %swap3A_163 = vector.shape_cast %swap3A_162 : vector<1x16xf32> to vector<16xf32>
        %swap3A_164 = vector.shape_cast %add3A_159 : vector<16xf32> to vector<1x16xf32>
        tpu.vector_store %arg8[%swap3A_160, %swap3A_161], %swap3A_164 {strides = array<i32>} : memref<128x128xf32, #tpu.memory_space<vmem>>, vector<1x16xf32>,
        %scan3A_165 = arith.constant 1 : i32
        %scan3A_166 = arith.addi %scan3A_42, %scan3A_165 : i32
        %get3A_167 = arith.index_cast %scan3A_166 : i32 to index
        %get3A_168 = arith.constant 0 : index
        %get3A_169 = tpu.vector_load %arg10[%get3A_167, %get3A_168] {strides = array<i32>} : memref<128x16xf32, #tpu.memory_space<vmem>>, vector<1x16xf32>,
        %get3A_170 = vector.shape_cast %get3A_169 : vector<1x16xf32> to vector<16xf32>
        %get3A_171 = arith.index_cast %scan3A_166 : i32 to index
        %get3A_172 = arith.constant 0 : index
        %get3A_173 = tpu.vector_load %arg8[%get3A_171, %get3A_172] {strides = array<i32>} : memref<128x128xf32, #tpu.memory_space<vmem>>, vector<1x16xf32>,
        %get3A_174 = vector.shape_cast %get3A_173 : vector<1x16xf32> to vector<16xf32>
        %mul3A_175 = arith.mulf %get3A_174, %get3A_170 : vector<16xf32>
        %get3A_176 = arith.index_cast %scan3A_166 : i32 to index
        %get3A_177 = arith.constant 0 : index
        %get3A_178 = tpu.vector_load %arg9[%get3A_176, %get3A_177] {strides = array<i32>} : memref<128x128xf32, #tpu.memory_space<vmem>>, vector<1x16xf32>,
        %get3A_179 = vector.shape_cast %get3A_178 : vector<1x16xf32> to vector<16xf32>
        %add3A_180 = arith.addf %mul3A_175, %get3A_179 : vector<16xf32>
        %swap3A_181 = arith.index_cast %scan3A_166 : i32 to index
        %swap3A_182 = arith.constant 0 : index
        %swap3A_183 = tpu.vector_load %arg8[%swap3A_181, %swap3A_182] {strides = array<i32>} : memref<128x128xf32, #tpu.memory_space<vmem>>, vector<1x16xf32>,
        %swap3A_184 = vector.shape_cast %swap3A_183 : vector<1x16xf32> to vector<16xf32>
        %swap3A_185 = vector.shape_cast %add3A_180 : vector<16xf32> to vector<1x16xf32>
        tpu.vector_store %arg8[%swap3A_181, %swap3A_182], %swap3A_185 {strides = array<i32>} : memref<128x128xf32, #tpu.memory_space<vmem>>, vector<1x16xf32>,
        %get3A_186 = arith.index_cast %scan3A_166 : i32 to index
        %get3A_187 = arith.constant 16 : index
        %get3A_188 = tpu.vector_load %arg8[%get3A_186, %get3A_187] {strides = array<i32>} : memref<128x128xf32, #tpu.memory_space<vmem>>, vector<1x16xf32>,
        %get3A_189 = vector.shape_cast %get3A_188 : vector<1x16xf32> to vector<16xf32>
        %mul3A_190 = arith.mulf %get3A_189, %get3A_170 : vector<16xf32>
        %get3A_191 = arith.index_cast %scan3A_166 : i32 to index
        %get3A_192 = arith.constant 16 : index
        %get3A_193 = tpu.vector_load %arg9[%get3A_191, %get3A_192] {strides = array<i32>} : memref<128x128xf32, #tpu.memory_space<vmem>>, vector<1x16xf32>,
        %get3A_194 = vector.shape_cast %get3A_193 : vector<1x16xf32> to vector<16xf32>
        %add3A_195 = arith.addf %mul3A_190, %get3A_194 : vector<16xf32>
        %swap3A_196 = arith.index_cast %scan3A_166 : i32 to index
        %swap3A_197 = arith.constant 16 : index
        %swap3A_198 = tpu.vector_load %arg8[%swap3A_196, %swap3A_197] {strides = array<i32>} : memref<128x128xf32, #tpu.memory_space<vmem>>, vector<1x16xf32>,
        %swap3A_199 = vector.shape_cast %swap3A_198 : vector<1x16xf32> to vector<16xf32>
        %swap3A_200 = vector.shape_cast %add3A_195 : vector<16xf32> to vector<1x16xf32>
        tpu.vector_store %arg8[%swap3A_196, %swap3A_197], %swap3A_200 {strides = array<i32>} : memref<128x128xf32, #tpu.memory_space<vmem>>, vector<1x16xf32>,
        %get3A_201 = arith.index_cast %scan3A_166 : i32 to index
        %get3A_202 = arith.constant 32 : index
        %get3A_203 = tpu.vector_load %arg8[%get3A_201, %get3A_202] {strides = array<i32>} : memref<128x128xf32, #tpu.memory_space<vmem>>, vector<1x16xf32>,
        %get3A_204 = vector.shape_cast %get3A_203 : vector<1x16xf32> to vector<16xf32>
        %mul3A_205 = arith.mulf %get3A_204, %get3A_170 : vector<16xf32>
        %get3A_206 = arith.index_cast %scan3A_166 : i32 to index
        %get3A_207 = arith.constant 32 : index
        %get3A_208 = tpu.vector_load %arg9[%get3A_206, %get3A_207] {strides = array<i32>} : memref<128x128xf32, #tpu.memory_space<vmem>>, vector<1x16xf32>,
        %get3A_209 = vector.shape_cast %get3A_208 : vector<1x16xf32> to vector<16xf32>
        %add3A_210 = arith.addf %mul3A_205, %get3A_209 : vector<16xf32>
        %swap3A_211 = arith.index_cast %scan3A_166 : i32 to index
        %swap3A_212 = arith.constant 32 : index
        %swap3A_213 = tpu.vector_load %arg8[%swap3A_211, %swap3A_212] {strides = array<i32>} : memref<128x128xf32, #tpu.memory_space<vmem>>, vector<1x16xf32>,
        %swap3A_214 = vector.shape_cast %swap3A_213 : vector<1x16xf32> to vector<16xf32>
        %swap3A_215 = vector.shape_cast %add3A_210 : vector<16xf32> to vector<1x16xf32>
        tpu.vector_store %arg8[%swap3A_211, %swap3A_212], %swap3A_215 {strides = array<i32>} : memref<128x128xf32, #tpu.memory_space<vmem>>, vector<1x16xf32>,
        %get3A_216 = arith.index_cast %scan3A_166 : i32 to index
        %get3A_217 = arith.constant 48 : index
        %get3A_218 = tpu.vector_load %arg8[%get3A_216, %get3A_217] {strides = array<i32>} : memref<128x128xf32, #tpu.memory_space<vmem>>, vector<1x16xf32>,
        %get3A_219 = vector.shape_cast %get3A_218 : vector<1x16xf32> to vector<16xf32>
        %mul3A_220 = arith.mulf %get3A_219, %get3A_170 : vector<16xf32>
        %get3A_221 = arith.index_cast %scan3A_166 : i32 to index
        %get3A_222 = arith.constant 48 : index
        %get3A_223 = tpu.vector_load %arg9[%get3A_221, %get3A_222] {strides = array<i32>} : memref<128x128xf32, #tpu.memory_space<vmem>>, vector<1x16xf32>,
        %get3A_224 = vector.shape_cast %get3A_223 : vector<1x16xf32> to vector<16xf32>
        %add3A_225 = arith.addf %mul3A_220, %get3A_224 : vector<16xf32>
        %swap3A_226 = arith.index_cast %scan3A_166 : i32 to index
        %swap3A_227 = arith.constant 48 : index
        %swap3A_228 = tpu.vector_load %arg8[%swap3A_226, %swap3A_227] {strides = array<i32>} : memref<128x128xf32, #tpu.memory_space<vmem>>, vector<1x16xf32>,
        %swap3A_229 = vector.shape_cast %swap3A_228 : vector<1x16xf32> to vector<16xf32>
        %swap3A_230 = vector.shape_cast %add3A_225 : vector<16xf32> to vector<1x16xf32>
        tpu.vector_store %arg8[%swap3A_226, %swap3A_227], %swap3A_230 {strides = array<i32>} : memref<128x128xf32, #tpu.memory_space<vmem>>, vector<1x16xf32>,
        %get3A_231 = arith.index_cast %scan3A_166 : i32 to index
        %get3A_232 = arith.constant 64 : index
        %get3A_233 = tpu.vector_load %arg8[%get3A_231, %get3A_232] {strides = array<i32>} : memref<128x128xf32, #tpu.memory_space<vmem>>, vector<1x16xf32>,
        %get3A_234 = vector.shape_cast %get3A_233 : vector<1x16xf32> to vector<16xf32>
        %mul3A_235 = arith.mulf %get3A_234, %get3A_170 : vector<16xf32>
        %get3A_236 = arith.index_cast %scan3A_166 : i32 to index
        %get3A_237 = arith.constant 64 : index
        %get3A_238 = tpu.vector_load %arg9[%get3A_236, %get3A_237] {strides = array<i32>} : memref<128x128xf32, #tpu.memory_space<vmem>>, vector<1x16xf32>,
        %get3A_239 = vector.shape_cast %get3A_238 : vector<1x16xf32> to vector<16xf32>
        %add3A_240 = arith.addf %mul3A_235, %get3A_239 : vector<16xf32>
        %swap3A_241 = arith.index_cast %scan3A_166 : i32 to index
        %swap3A_242 = arith.constant 64 : index
        %swap3A_243 = tpu.vector_load %arg8[%swap3A_241, %swap3A_242] {strides = array<i32>} : memref<128x128xf32, #tpu.memory_space<vmem>>, vector<1x16xf32>,
        %swap3A_244 = vector.shape_cast %swap3A_243 : vector<1x16xf32> to vector<16xf32>
        %swap3A_245 = vector.shape_cast %add3A_240 : vector<16xf32> to vector<1x16xf32>
        tpu.vector_store %arg8[%swap3A_241, %swap3A_242], %swap3A_245 {strides = array<i32>} : memref<128x128xf32, #tpu.memory_space<vmem>>, vector<1x16xf32>,
        %get3A_246 = arith.index_cast %scan3A_166 : i32 to index
        %get3A_247 = arith.constant 80 : index
        %get3A_248 = tpu.vector_load %arg8[%get3A_246, %get3A_247] {strides = array<i32>} : memref<128x128xf32, #tpu.memory_space<vmem>>, vector<1x16xf32>,
        %get3A_249 = vector.shape_cast %get3A_248 : vector<1x16xf32> to vector<16xf32>
        %mul3A_250 = arith.mulf %get3A_249, %get3A_170 : vector<16xf32>
        %get3A_251 = arith.index_cast %scan3A_166 : i32 to index
        %get3A_252 = arith.constant 80 : index
        %get3A_253 = tpu.vector_load %arg9[%get3A_251, %get3A_252] {strides = array<i32>} : memref<128x128xf32, #tpu.memory_space<vmem>>, vector<1x16xf32>,
        %get3A_254 = vector.shape_cast %get3A_253 : vector<1x16xf32> to vector<16xf32>
        %add3A_255 = arith.addf %mul3A_250, %get3A_254 : vector<16xf32>
        %swap3A_256 = arith.index_cast %scan3A_166 : i32 to index
        %swap3A_257 = arith.constant 80 : index
        %swap3A_258 = tpu.vector_load %arg8[%swap3A_256, %swap3A_257] {strides = array<i32>} : memref<128x128xf32, #tpu.memory_space<vmem>>, vector<1x16xf32>,
        %swap3A_259 = vector.shape_cast %swap3A_258 : vector<1x16xf32> to vector<16xf32>
        %swap3A_260 = vector.shape_cast %add3A_255 : vector<16xf32> to vector<1x16xf32>
        tpu.vector_store %arg8[%swap3A_256, %swap3A_257], %swap3A_260 {strides = array<i32>} : memref<128x128xf32, #tpu.memory_space<vmem>>, vector<1x16xf32>,
        %get3A_261 = arith.index_cast %scan3A_166 : i32 to index
        %get3A_262 = arith.constant 96 : index
        %get3A_263 = tpu.vector_load %arg8[%get3A_261, %get3A_262] {strides = array<i32>} : memref<128x128xf32, #tpu.memory_space<vmem>>, vector<1x16xf32>,
        %get3A_264 = vector.shape_cast %get3A_263 : vector<1x16xf32> to vector<16xf32>
        %mul3A_265 = arith.mulf %get3A_264, %get3A_170 : vector<16xf32>
        %get3A_266 = arith.index_cast %scan3A_166 : i32 to index
        %get3A_267 = arith.constant 96 : index
        %get3A_268 = tpu.vector_load %arg9[%get3A_266, %get3A_267] {strides = array<i32>} : memref<128x128xf32, #tpu.memory_space<vmem>>, vector<1x16xf32>,
        %get3A_269 = vector.shape_cast %get3A_268 : vector<1x16xf32> to vector<16xf32>
        %add3A_270 = arith.addf %mul3A_265, %get3A_269 : vector<16xf32>
        %swap3A_271 = arith.index_cast %scan3A_166 : i32 to index
        %swap3A_272 = arith.constant 96 : index
        %swap3A_273 = tpu.vector_load %arg8[%swap3A_271, %swap3A_272] {strides = array<i32>} : memref<128x128xf32, #tpu.memory_space<vmem>>, vector<1x16xf32>,
        %swap3A_274 = vector.shape_cast %swap3A_273 : vector<1x16xf32> to vector<16xf32>
        %swap3A_275 = vector.shape_cast %add3A_270 : vector<16xf32> to vector<1x16xf32>
        tpu.vector_store %arg8[%swap3A_271, %swap3A_272], %swap3A_275 {strides = array<i32>} : memref<128x128xf32, #tpu.memory_space<vmem>>, vector<1x16xf32>,
        %get3A_276 = arith.index_cast %scan3A_166 : i32 to index
        %get3A_277 = arith.constant 112 : index
        %get3A_278 = tpu.vector_load %arg8[%get3A_276, %get3A_277] {strides = array<i32>} : memref<128x128xf32, #tpu.memory_space<vmem>>, vector<1x16xf32>,
        %get3A_279 = vector.shape_cast %get3A_278 : vector<1x16xf32> to vector<16xf32>
        %mul3A_280 = arith.mulf %get3A_279, %get3A_170 : vector<16xf32>
        %get3A_281 = arith.index_cast %scan3A_166 : i32 to index
        %get3A_282 = arith.constant 112 : index
        %get3A_283 = tpu.vector_load %arg9[%get3A_281, %get3A_282] {strides = array<i32>} : memref<128x128xf32, #tpu.memory_space<vmem>>, vector<1x16xf32>,
        %get3A_284 = vector.shape_cast %get3A_283 : vector<1x16xf32> to vector<16xf32>
        %add3A_285 = arith.addf %mul3A_280, %get3A_284 : vector<16xf32>
        %swap3A_286 = arith.index_cast %scan3A_166 : i32 to index
        %swap3A_287 = arith.constant 112 : index
        %swap3A_288 = tpu.vector_load %arg8[%swap3A_286, %swap3A_287] {strides = array<i32>} : memref<128x128xf32, #tpu.memory_space<vmem>>, vector<1x16xf32>,
        %swap3A_289 = vector.shape_cast %swap3A_288 : vector<1x16xf32> to vector<16xf32>
        %swap3A_290 = vector.shape_cast %add3A_285 : vector<16xf32> to vector<1x16xf32>
        tpu.vector_store %arg8[%swap3A_286, %swap3A_287], %swap3A_290 {strides = array<i32>} : memref<128x128xf32, #tpu.memory_space<vmem>>, vector<1x16xf32>,
      }
      %scan3A_41 = arith.constant 128 : i32
      "tpu.region"() ({
        %run_scoped3A = tpu.sem_alloc : memref<!tpu.dma_semaphore, #tpu.memory_space<semaphore_mem>>
        %dma_start3A_42 = arith.constant 0 : i32
        %dma_start3A_43 = tpu.memref_slice %arg6[%add3A_11, %dma_start3A_42] : memref<262144x128xf32, #tpu.memory_space<hbm>> -> memref<128x128xf32, #tpu.memory_space<hbm>>
        %dma_start3A_44 = arith.constant 0 : i32
        %dma_start3A_45 = tpu.memref_slice %arg6[%add3A_11, %dma_start3A_44] : memref<262144x128xf32, #tpu.memory_space<hbm>> -> memref<128x128xf32, #tpu.memory_space<hbm>>
        tpu.enqueue_dma source(%arg8 : memref<128x128xf32, #tpu.memory_space<vmem>>) target(%dma_start3A_45 : memref<128x128xf32, #tpu.memory_space<hbm>>) target_semaphore(%run_scoped3A : memref<!tpu.dma_semaphore, #tpu.memory_space<semaphore_mem>>)
        %dma_wait3A_46 = arith.constant 0 : i32
        %dma_wait3A_47 = tpu.memref_slice %arg6[%add3A_11, %dma_wait3A_46] : memref<262144x128xf32, #tpu.memory_space<hbm>> -> memref<128x128xf32, #tpu.memory_space<hbm>>
        %dma_wait3A_48 = arith.constant 0 : i32
        %dma_wait3A_49 = tpu.memref_slice %arg6[%add3A_11, %dma_wait3A_48] : memref<262144x128xf32, #tpu.memory_space<hbm>> -> memref<128x128xf32, #tpu.memory_space<hbm>>
        tpu.wait_dma2 semaphore(%run_scoped3A : memref<!tpu.dma_semaphore, #tpu.memory_space<semaphore_mem>>) src(%arg8 : memref<128x128xf32, #tpu.memory_space<vmem>>) dst(%dma_wait3A_49 : memref<128x128xf32, #tpu.memory_space<hbm>>)
        tpu.yield
      }) : () -> ()
    }
    %scan3A_7 = arith.constant 64 : i32
    return
  }
}

</mosaic_0001>

<sc_bundles>
// kernel: _sc_gather_fma.3.cloned.1.call-start
scs
__scs_entry_jumppad:
0x0: {  	(pc) =	sbr.rel $0x88, $3  }
0x1: {  	(tag) =	ssettag $0x0;
	lr =	simm.s32 $0x1  }
0x2: {  	[smem:$0x3F9D] =	sst lr;
	_ =	strace $0xD0000000  }
0x3: {  	_ = 	snop  }
0x4: {  	_ = 	snop  }
0x5: {  	_ = 	snop  }
0x6: {  	_ = 	snop  }
0x7: {  	_ = 	snop  }
__scs_overlays_trampoline_lowered:
0x8: {  	[smem:$0x3FAC] =	sst s0  }
0x9: {  	[smem:$0x3FAD] =	sst s1  }
0xa: {  	[smem:$0x3FAE] =	sst s2  }
0xb: {  	[smem:$0x3FAF] =	sst s3  }
0xc: {  	[smem:$0x3FB0] =	sst s4  }
0xd: {  	[smem:$0x3FB1] =	sst s5  }
0xe: {  	[smem:$0x3FB2] =	sst s6  }
0xf: {  	[smem:$0x3FB3] =	sst s7  }
0x10: {  	[smem:$0x3FB4] =	sst s8  }
0x11: {  	[smem:$0x3FB5] =	sst s9;
	s0 =	simm.s32 @!p0 $0x0  }
0x12: {  	s1 =	sld [smem:$0x3F9B];
	s0 =	simm.s32 @p0 $0x1  }
0x13: {  	[smem:$0x3FB6] =	sst s0;
	s0 =	simm.s32 @!p1 $0x0  }
0x14: {  	s2 =	sld [smem:$0x3F9A];
	s0 =	simm.s32 @p1 $0x1  }
0x15: {  	[smem:$0x3FB7] =	sst s0;
	s0 =	simm.s32 @!p2 $0x0  }
0x16: {  	s3 =	sld [smem:$0x3FDB];
	s0 =	simm.s32 @p2 $0x1  }
0x17: {  	s4 =	simm.s32 $0x1BF5;
	[smem:$0x3FB9] =	sst s0  }
0x18: {  	s0 =	sld [smem:$0x3F9C];
	_ =	swait.ge [sflag:s4], $0x0  }
0x19: {  	s7 =	sld [smem:$0x3F9D]  }
0x1a: {  	s8 =	sadd.s32 $0xFFFFE003, lr  }
0x1b: {  	s9 =	sadd.s32 $0xFFFFFEF7, lr;
	s5 =	simm.s32 $0xFFFFFFFF;
	p2 =	slt.u32 s8, $0xFFFFF086  }
0x1c: {  	p1 =	slt.u32 s9, $0xF7A;
	s5 =	simm.s32 @!p2 $0x0  }
0x1d: {  	s5 =	simm.s32 @p1 $0x1;
	p0 =	seq.s32 s7, s2  }
0x1e: {  	s7 =	smul.u32 @!p0 $0xF7A, s2;
	p2 =	seq.s32 @!p0 s5, $0x0  }
0x1f: {  	s9 =	smul.u32 $0xF7A, s1;
	s8 =	simm.s32 @!p0 $0x1BF5;
	p2 =	por !p2, p0  }
0x20: {  	[sflag:s8] =	ssyncset.s32 @!p0 $0xFFFFF086;
	s6 =	sadd.s32 @!p0 s3, s7;
	s7 =	simm.s32 @!p0 $0x108  }
0x21: {  	s3 =	sadd.s32 s3, s9;
	s6 =	sadd.s32 @!p0 $0x88, s6;
	s7 =	simm.s32 @p2 $0x1082  }
0x22: {  	[simem:s7], [sflag:s8] =	dma.local @!p0 [hbm:s6], $0xF7A  }
0x23: {  	s9 =	sor.u32 $0xD0000000, s2;
	s6 =	simm.s32 $0x108;
	_ =	swait.ge @!p0 [sflag:s8], $0x0  }
0x24: {  	s3 =	sadd.s32 $0x88, s3;
	s6 =	simm.s32 @!p1 $0x1082;
	[sflag:s4] =	ssyncset.s32 $0xFFFFF086  }
0x25: {  	[simem:s6], [sflag:s4] =	dma.local [hbm:s3], $0xF7A  }
0x26: {  	[smem:$0x3F9D] =	sst s1;
	(tag) =	ssettag s2;
	_ =	strace s9  }
0x27: {  	s1 =	sld [smem:$0x3FAD]  }
0x28: {  	s2 =	sld [smem:$0x3FAE]  }
0x29: {  	s4 =	sld [smem:$0x3FB0]  }
0x2a: {  	p0 =	seq.s32 s5, $0x0;
	s5 =	sld [smem:$0x3FB1]  }
0x2b: {  	s6 =	sld [smem:$0x3FB2]  }
0x2c: {  	s7 =	sld [smem:$0x3FB3]  }
0x2d: {  	s3 =	simm.s32 $0x108;
	s8 =	sld [smem:$0x3FB4]  }
0x2e: {  	s3 =	simm.s32 @!p0 $0x1082;
	s9 =	sld [smem:$0x3FB5]  }
0x2f: {  	lr =	sadd.s32 s0, s3;
	s0 =	sld [smem:$0x3FAC]  }
0x30: {  	s3 =	sld [smem:$0x3FAF]  }
0x31: {  	[smem:$0x3FB8] =	sst s10  }
0x32: {  	s10 =	sld [smem:$0x3FB6];
	_ =	sdelay $0x3  }
0x33: {  	p0 =	seq.s32 s10, $0x1;
	s10 =	sld [smem:$0x3FB8];
	_ =	sdelay $0x3  }
0x34: {  	[smem:$0x3FB8] =	sst s10  }
0x35: {  	s10 =	sld [smem:$0x3FB7];
	_ =	sdelay $0x3  }
0x36: {  	p1 =	seq.s32 s10, $0x1;
	s10 =	sld [smem:$0x3FB8];
	_ =	sdelay $0x3  }
0x37: {  	[smem:$0x3FB8] =	sst s10  }
0x38: {  	s10 =	sld [smem:$0x3FB9]  }
0x39: {  	_ = 	snop;
	(pc) =	sbr.ind lr, $3  }
0x3a: {  	_ = 	snop  }
0x3b: {  	_ = 	snop  }
0x3c: {  	p2 =	seq.s32 s10, $0x1;
	s10 =	sld [smem:$0x3FB8]  }
0x3d: {  	_ =	shalt  }
0x3e: {  	_ =	shalt  }
0x3f: {  	_ =	shalt  }
0x40: {  	_ =	shalt  }
0x41: {  	_ =	shalt  }
0x42: {  	_ =	shalt  }
0x43: {  	_ =	shalt  }
0x44: {  	_ =	shalt  }
0x45: {  	_ =	shalt  }
0x46: {  	_ =	shalt  }
0x47: {  	_ =	shalt  }
0x48: {  	_ =	shalt  }
0x49: {  	_ =	shalt  }
0x4a: {  	_ =	shalt  }
0x4b: {  	_ =	shalt  }
0x4c: {  	_ =	shalt  }
0x4d: {  	_ =	shalt  }
0x4e: {  	_ =	shalt  }
0x4f: {  	_ =	shalt  }
0x50: {  	_ =	shalt  }
0x51: {  	_ =	shalt  }
0x52: {  	_ =	shalt  }
0x53: {  	_ =	shalt  }
0x54: {  	_ =	shalt  }
0x55: {  	_ =	shalt  }
0x56: {  	_ =	shalt  }
0x57: {  	_ =	shalt  }
0x58: {  	_ =	shalt  }
0x59: {  	_ =	shalt  }
0x5a: {  	_ =	shalt  }
0x5b: {  	_ =	shalt  }
0x5c: {  	_ =	shalt  }
0x5d: {  	_ =	shalt  }
0x5e: {  	_ =	shalt  }
0x5f: {  	_ =	shalt  }
0x60: {  	_ =	shalt  }
0x61: {  	_ =	shalt  }
0x62: {  	_ =	shalt  }
0x63: {  	_ =	shalt  }
0x64: {  	_ =	shalt  }
0x65: {  	_ =	shalt  }
0x66: {  	_ =	shalt  }
0x67: {  	_ =	shalt  }
0x68: {  	_ =	shalt  }
0x69: {  	_ =	shalt  }
0x6a: {  	_ =	shalt  }
0x6b: {  	_ =	shalt  }
0x6c: {  	_ =	shalt  }
0x6d: {  	_ =	shalt  }
0x6e: {  	_ =	shalt  }
0x6f: {  	_ =	shalt  }
0x70: {  	_ =	shalt  }
0x71: {  	_ =	shalt  }
0x72: {  	_ =	shalt  }
0x73: {  	_ =	shalt  }
0x74: {  	_ =	shalt  }
0x75: {  	_ =	shalt  }
0x76: {  	_ =	shalt  }
0x77: {  	_ =	shalt  }
0x78: {  	_ =	shalt  }
0x79: {  	_ =	shalt  }
0x7a: {  	_ =	shalt  }
0x7b: {  	_ =	shalt  }
0x7c: {  	_ =	shalt  }
0x7d: {  	_ =	shalt  }
0x7e: {  	_ =	shalt  }
0x7f: {  	_ =	shalt  }
0x80: {  	_ =	shalt  }
0x81: {  	_ =	shalt  }
0x82: {  	_ =	shalt  }
0x83: {  	_ =	shalt  }
0x84: {  	_ =	shalt  }
0x85: {  	_ =	shalt  }
0x86: {  	_ =	shalt  }
0x87: {  	_ =	shalt  }
.Lfunc_end0:
.L_simem_size_0:
called_computation_lowered:
.L_overlay_start_0:
0x88: {  	s2 =	sld [smem:$0x3FD9]  }
0x89: {  	s3 =	sld [smem:$0x3FFE];
	_ =	sdelay $0x1  }
0x8a: {  	s1 =	srdreg.scid  }
0x8b: {  	s0 =	sand.u32 $0x1, s1  }
0x8c: {  	s17 =	sshll.u32 s0, $0xA;
	s2 =	sadd.s32 s3, s2  }
0x8d: {  	s2 =	sadd.s32 s2, s17  }
0x8e: {  	[smem:$0x3FC4] =	sst s2  }
0x8f: {  	_ = 	snop  }
0x90: {  	s2 =	sld [smem:$0x3FC9]  }
0x91: {  	s18 =	sld [smem:$0x3FC8]  }
0x92: {  	s4 =	sld [smem:$0x3FC7]  }
0x93: {  	s5 =	sld [smem:$0x3FD0];
	(tm) =	ssettm $0x1  }
0x94: {  	s6 =	sld [smem:$0x3FFB];
	_ =	sdelay $0x3  }
0x95: {  	_ =	strace s6  }
0x96: {  	s6 =	sld [smem:$0x3FFC];
	_ =	sdelay $0x3  }
0x97: {  	_ =	strace s6  }
0x98: {  	s6 =	sld [smem:$0x3FFD];
	_ =	sdelay $0x3  }
0x99: {  	_ =	strace s6  }
0x9a: {  	_ =	strace $0x8FFFFFFF  }
0x9b: {  	s19 =	sld [smem:$0x3FDB];
	_ =	sdelay $0x1  }
0x9c: {  	s7 =	simm.s32 $_scs_section_size  }
0x9d: {  	s8 =	simm.s32 $_size__tile_overlayer_lowered;
	s9 =	simm.s32 $_tile_overlayer_lowered  }
0x9e: {  	s22 =	simm.s32 $0x1BFF;
	s21 =	sshll.u32 s9, $0x1;
	s6 =	sadd.s32 s7, s19  }
0x9f: {  	s10 =	simm.s32 $0x0;
	s20 =	sshll.u32 s8, $0x1;
	s8 =	sadd.s32 s21, s6  }
0xa0: {  	[timem:s10], [sflag:s22] =	dma.local [hbm:s8], s20  }
0xa1: {  	_ =	swait.ge [sflag:s22], s20  }
0xa2: {  	s7 =	ssub.s32 $0x0, s20;
	[sflag:s22] =	ssyncset.done $0x0  }
0xa3: {  	[sflag:s22] =	ssyncadd.s32 s7;
	_ =	sdelay $0x1  }
0xa4: {  	s23 =	simm.s32 $0x1B8B  }
0xa5: {  	_ =	swait.ge [sflag:s23], $0x1  }
0xa6: {  	[sflag:s23] =	ssyncset.done $0x0  }
0xa7: {  	s25 =	simm.s32 $0x1B8E;
	s24 =	sld [smem:$0x3FFE];
	[sflag:s23] =	ssyncadd.s32 $0xFFFFFFFF  }
0xa8: {  	s26 =	simm.s32 $execute0_lowered;
	[smem:$0x3FD2] =	sst s25  }
0xa9: {  	s8 =	sshll.u32 s26, $0x1;
	_ =	strace $0x80000046;
	[dreg:$0x1] =	wrdreg $0xFFFFFFFF  }
0xaa: {  	s28 =	simm.s32 $_size_execute0_lowered;
	s6 =	sadd.s32 s6, s8;
	[dreg:$0x0] =	wrdreg $0x0  }
0xab: {  	s8 =	sshll.u32 s28, $0x1;
	[dreg:$0x2] =	wrdreg s6  }
0xac: {  	[dreg:$0x3] =	wrdreg s8  }
0xad: {  	[dreg:$0x4] =	wrdreg $0xC0  }
0xae: {  	_ =	task [dreg:s10], $0x5FFFF  }
0xaf: {  	[dreg:$0x1] =	wrdreg $0xFFFFFFFF  }
0xb0: {  	[dreg:$0x0] =	wrdreg $0x60  }
0xb1: {  	[dreg:$0x2] =	wrdreg s2  }
0xb2: {  	[dreg:$0x3] =	wrdreg s18  }
0xb3: {  	[dreg:$0x4] =	wrdreg s4  }
0xb4: {  	[dreg:$0x5] =	wrdreg s24  }
0xb5: {  	[dreg:$0x6] =	wrdreg s5  }
0xb6: {  	[dreg:$0x7] =	wrdreg $0x9  }
0xb7: {  	_ =	task.clear_ibuf [dreg:s10], $0x8FFFF;
	_ =	strace $0x90000046  }
0xb8: {  	s29 =	simm.s32 $0x9;
	_ =	strace $0x80000048  }
0xb9: {  	_ =	swait.ge [sflag:s29], $0x1  }
0xba: {  	[sflag:s29] =	ssyncadd.s32 $0xFFFFFFFF  }
0xbb: {  	_ =	strace $0x90000048  }
0xbc: {  	_ =	sfence  }
0xbd: {  	s30 =	sld [smem:$0x0];
	_ =	sdelay $0x2  }
0xbe: {  	s31 =	sshll.u32 s1, $0xD;
	s1 =	sshrl.u32 s1, $0x2  }
0xbf: {  	s3 =	sand.u32 $0x4000, s31;
	s1 =	sadd.s32 s1, s30  }
0xc0: {  	s0 =	sor.u32 s3, s0;
	s1 =	sshll.u32 s1, $0x11  }
0xc1: {  	s0 =	sor.u32 s1, s0  }
0xc2: {  	s0 =	sadd.s32 $0x8F2B, s0  }
0xc3: {  	[sflag:s0] =	ssyncadd.remote.s32 $0x1  }
0xc4: {  	_ =	sfence.sel $0xFFFF  }
0xc5: {  	[dreg:$0x0] =	wrdreg $0xFFFFFFFF;
	(pc) =	sbr.abs _section_cstart, $3  }
0xc6: {  	[dreg:$0x1] =	wrdreg $0xFFFFFFFF  }
0xc7: {  	_ =	task.clear_ibuf [dreg:s10], $0x2FFFF;
	_ =	strace $0x9FFFFFFF  }
0xc8: {  	(tm) =	ssettm $0x7FFFFFFF  }
0xc9: {  	_ =	shalt  }
tec
execute0_lowered:
.L_overlay_start_1:
0x0: {  	(tag) =	ssettag $0x1  }
0x1: {  	s1 =	rddreg [dreg:$0x0]  }
0x2: {  	s2 =	rddreg [dreg:$0x1]  }
0x3: {  	s3 =	rddreg [dreg:$0x2]  }
0x4: {  	s7 =	rddreg [dreg:$0x3]  }
0x5: {  	s4 =	rddreg [dreg:$0x4]  }
0x6: {  	s6 =	srdreg.scid;
	s0 =	rddreg [dreg:$0x5];
	s5 =	simm.s32 $0x0  }
0x7: {  	s11 =	simm.s32 $0x80;
	s12 =	simm.s32 $0x4080;
	s13 =	simm.s32 $0x8080  }
0x8: {  	s14 =	simm.s32 $0x2;
	s15 =	simm.s32 $0x3;
	s16 =	simm.s32 $0x4  }
0x9: {  	s17 =	simm.s32 $0x5;
	s18 =	simm.s32 $0x0;
	s8 =	sand.u32 $0x1, s6  }
0xa: {  	[smem:$0x7FF] =	sst s5;
	s6 =	stileid.u32;
	s9 =	ssub.s32 $0x2, s8  }
0xb: {  	s7 =	sadd.s32 $0x400, s7;
	_ =	strace $0x80000047;
	s10 =	sshrl.u32 s9, $0x1  }
0xc: {  	s31 =	sshll.u32 s6, $0xE;
	s8 =	sshll.u32 s8, $0xD;
	s9 =	ssub.s32 s9, s10  }
0xd: {  	s8 =	sor.u32 s8, s31;
	s10 =	simm.s32 $0x1;
	s9 =	smax.u32 s9, $0x1  }
.LBB2_1:
0xe: {  	s19 =	simm.s32 $0x0  }
.LBB2_2:
0xf: {  	s20 =	sshll.u32 s19, $0x7  }
0x10: {  	s20 =	sadd.s32 s8, s20  }
0x11: {  	s21 =	sshrl.u32 s20, $0x3  }
0x12: {  	s21 =	sadd.s32 s2, s21  }
0x13: {  	[tilespmem:s5], [sflag:$0x1] =	stream.linear.gather [hbm4b:s21+s5], $0x80, $0x38;
	[tilespmem:$0xC080] =	vst v63  }
0x14: {  	_ =	swait.ge [sflag:s10], $0x80  }
0x15: {  	[sflag:s10] =	ssyncset.done $0x0  }
0x16: {  	s20 =	sshll.u32 s20, $0x4;
	[sflag:s10] =	ssyncadd.s32 $0xFFFFFF80  }
0x17: {  	[tilespmem:s11], [sflag:$0x2] =	stream.indirect.gather [hbm4b:s1+s11], $0x80, s5, s11, $0xb8;
	[tilespmem:$0xC080] =	vst v63  }
0x18: {  	s30 =	sadd.s32 s3, s20  }
0x19: {  	[tilespmem:s12], [sflag:$0x3] =	stream.linear.gather [hbm4b:s30+s5], $0x4000, $0x38;
	[tilespmem:$0xC080] =	vst v63  }
0x1a: {  	s31 =	sadd.s32 s7, s20  }
0x1b: {  	[tilespmem:s13], [sflag:$0x4] =	stream.linear.gather [hbm4b:s31+s5], $0x4000, $0x38;
	[tilespmem:$0xC080] =	vst v63  }
0x1c: {  	_ =	swait.ge [sflag:s14], $0x4000  }
0x1d: {  	[sflag:s14] =	ssyncset.done $0x0  }
0x1e: {  	[sflag:s14] =	ssyncadd.s32 $0xFFFFC000  }
0x1f: {  	_ =	swait.ge [sflag:s15], $0x4000  }
0x20: {  	[sflag:s15] =	ssyncset.done $0x0  }
0x21: {  	[sflag:s15] =	ssyncadd.s32 $0xFFFFC000  }
0x22: {  	_ =	swait.ge [sflag:s16], $0x4000  }
0x23: {  	[sflag:s16] =	ssyncset.done $0x0  }
0x24: {  	s23 =	simm.s32 $0x100;
	[sflag:s16] =	ssyncadd.s32 $0xFFFFC000  }
0x25: {  	s21 =	simm.s32 $0x8100;
	v0 =	vld [tilespmem:s23+$0xFFFFFF80]  }
0x26: {  	v1 =	vld [tilespmem:s21+$0xFFFFFF80]  }
0x27: {  	s22 =	simm.s32 $0x4100  }
0x28: {  	v2 =	vld [tilespmem:s22+$0xFFFFFF80];
	_ =	sdelay $0x2  }
0x29: {  	v0 =	vmul.f32 v0, v1;
	_ =	sdelay $0x1  }
0x2a: {  	v0 =	vadd.f32 v2, v0  }
0x2b: {  	v2 =	vld [tilespmem:s23+$0xFFFFFF90]  }
0x2c: {  	[tilespmem:s23+$0xFFFFFF80] =	vst v0  }
0x2d: {  	v0 =	vld [tilespmem:s22+$0xFFFFFF90];
	_ =	sdelay $0x2  }
0x2e: {  	v2 =	vmul.f32 v2, v1;
	_ =	sdelay $0x1  }
0x2f: {  	v0 =	vadd.f32 v0, v2  }
0x30: {  	v2 =	vld [tilespmem:s23+$0xFFFFFFA0]  }
0x31: {  	[tilespmem:s23+$0xFFFFFF90] =	vst v0  }
0x32: {  	v0 =	vld [tilespmem:s22+$0xFFFFFFA0];
	_ =	sdelay $0x2  }
0x33: {  	v2 =	vmul.f32 v2, v1;
	_ =	sdelay $0x1  }
0x34: {  	v0 =	vadd.f32 v0, v2  }
0x35: {  	v2 =	vld [tilespmem:s23+$0xFFFFFFB0]  }
0x36: {  	[tilespmem:s23+$0xFFFFFFA0] =	vst v0  }
0x37: {  	v0 =	vld [tilespmem:s22+$0xFFFFFFB0];
	_ =	sdelay $0x2  }
0x38: {  	v2 =	vmul.f32 v2, v1;
	_ =	sdelay $0x1  }
0x39: {  	v0 =	vadd.f32 v0, v2  }
0x3a: {  	v2 =	vld [tilespmem:s23+$0xFFFFFFC0]  }
0x3b: {  	[tilespmem:s23+$0xFFFFFFB0] =	vst v0  }
0x3c: {  	v0 =	vld [tilespmem:s22+$0xFFFFFFC0];
	_ =	sdelay $0x2  }
0x3d: {  	v2 =	vmul.f32 v2, v1;
	_ =	sdelay $0x1  }
0x3e: {  	v0 =	vadd.f32 v0, v2  }
0x3f: {  	v2 =	vld [tilespmem:s23+$0xFFFFFFD0]  }
0x40: {  	[tilespmem:s23+$0xFFFFFFC0] =	vst v0  }
0x41: {  	v0 =	vld [tilespmem:s22+$0xFFFFFFD0];
	_ =	sdelay $0x2  }
0x42: {  	v2 =	vmul.f32 v2, v1;
	_ =	sdelay $0x1  }
0x43: {  	v0 =	vadd.f32 v0, v2  }
0x44: {  	v2 =	vld [tilespmem:s23+$0xFFFFFFE0]  }
0x45: {  	[tilespmem:s23+$0xFFFFFFD0] =	vst v0  }
0x46: {  	v0 =	vld [tilespmem:s22+$0xFFFFFFE0];
	_ =	sdelay $0x2  }
0x47: {  	v2 =	vmul.f32 v2, v1;
	_ =	sdelay $0x1  }
0x48: {  	v0 =	vadd.f32 v0, v2  }
0x49: {  	v2 =	vld [tilespmem:s23+$0xFFFFFFF0]  }
0x4a: {  	[tilespmem:s23+$0xFFFFFFE0] =	vst v0  }
0x4b: {  	v0 =	vld [tilespmem:s22+$0xFFFFFFF0];
	_ =	sdelay $0x2  }
0x4c: {  	v1 =	vmul.f32 v2, v1;
	_ =	sdelay $0x1  }
0x4d: {  	v0 =	vadd.f32 v0, v1;
	_ =	sdelay $0x1  }
0x4e: {  	[tilespmem:s23+$0xFFFFFFF0] =	vst v0;
	v0 =	vld [tilespmem:s23+$0x0]  }
0x4f: {  	v1 =	vld [tilespmem:s21+$0x0];
	_ =	sdelay $0x1  }
0x50: {  	v2 =	vld [tilespmem:s22+$0x0];
	_ =	sdelay $0x2  }
0x51: {  	v0 =	vmul.f32 v0, v1;
	_ =	sdelay $0x1  }
0x52: {  	v0 =	vadd.f32 v2, v0  }
0x53: {  	v2 =	vld [tilespmem:s23+$0x10]  }
0x54: {  	[tilespmem:s23+$0x0] =	vst v0  }
0x55: {  	v0 =	vld [tilespmem:s22+$0x10];
	_ =	sdelay $0x2  }
0x56: {  	v2 =	vmul.f32 v2, v1;
	_ =	sdelay $0x1  }
0x57: {  	v0 =	vadd.f32 v0, v2  }
0x58: {  	v2 =	vld [tilespmem:s23+$0x20]  }
0x59: {  	[tilespmem:s23+$0x10] =	vst v0  }
0x5a: {  	v0 =	vld [tilespmem:s22+$0x20];
	_ =	sdelay $0x2  }
0x5b: {  	v2 =	vmul.f32 v2, v1;
	_ =	sdelay $0x1  }
0x5c: {  	v0 =	vadd.f32 v0, v2  }
0x5d: {  	v2 =	vld [tilespmem:s23+$0x30]  }
0x5e: {  	[tilespmem:s23+$0x20] =	vst v0  }
0x5f: {  	v0 =	vld [tilespmem:s22+$0x30];
	_ =	sdelay $0x2  }
0x60: {  	v2 =	vmul.f32 v2, v1;
	_ =	sdelay $0x1  }
0x61: {  	v0 =	vadd.f32 v0, v2  }
0x62: {  	v2 =	vld [tilespmem:s23+$0x40]  }
0x63: {  	[tilespmem:s23+$0x30] =	vst v0  }
0x64: {  	v0 =	vld [tilespmem:s22+$0x40];
	_ =	sdelay $0x2  }
0x65: {  	v2 =	vmul.f32 v2, v1;
	_ =	sdelay $0x1  }
0x66: {  	v0 =	vadd.f32 v0, v2  }
0x67: {  	v2 =	vld [tilespmem:s23+$0x50]  }
0x68: {  	[tilespmem:s23+$0x40] =	vst v0  }
0x69: {  	v0 =	vld [tilespmem:s22+$0x50];
	_ =	sdelay $0x2  }
0x6a: {  	v2 =	vmul.f32 v2, v1;
	_ =	sdelay $0x1  }
0x6b: {  	v0 =	vadd.f32 v0, v2  }
0x6c: {  	v2 =	vld [tilespmem:s23+$0x60]  }
0x6d: {  	[tilespmem:s23+$0x50] =	vst v0  }
0x6e: {  	v0 =	vld [tilespmem:s22+$0x60];
	_ =	sdelay $0x2  }
0x6f: {  	v2 =	vmul.f32 v2, v1;
	_ =	sdelay $0x1  }
0x70: {  	v0 =	vadd.f32 v0, v2  }
0x71: {  	v2 =	vld [tilespmem:s23+$0x70]  }
0x72: {  	[tilespmem:s23+$0x60] =	vst v0  }
0x73: {  	v0 =	vld [tilespmem:s22+$0x70];
	_ =	sdelay $0x2  }
0x74: {  	v1 =	vmul.f32 v2, v1;
	_ =	sdelay $0x1  }
0x75: {  	v0 =	vadd.f32 v0, v1  }
0x76: {  	s24 =	simm.s32 $0x0;
	s25 =	simm.s32 $0x200  }
.LBB2_3:
0x77: {  	v1 =	vld [tilespmem:s25+$0xFFFFFF80];
	s24 =	sadd.s32 $0x2, s24;
	[tilespmem:s23+$0x70] =	vst v0;
	s22 =	sadd.s32 $0x100, s22;
	s21 =	sadd.s32 $0x100, s21  }
0x78: {  	s23 =	smov.u32 s25;
	v0 =	vld [tilespmem:s21+$0xFFFFFF80];
	p0 =	slt.u32 s24, $0x7E;
	_ =	sdelay $0x1  }
0x79: {  	v2 =	vld [tilespmem:s22+$0xFFFFFF80];
	_ =	sdelay $0x2  }
0x7a: {  	v1 =	vmul.f32 v1, v0;
	_ =	sdelay $0x1  }
0x7b: {  	v1 =	vadd.f32 v2, v1  }
0x7c: {  	v2 =	vld [tilespmem:s25+$0xFFFFFF90]  }
0x7d: {  	[tilespmem:s25+$0xFFFFFF80] =	vst v1  }
0x7e: {  	v1 =	vld [tilespmem:s22+$0xFFFFFF90];
	_ =	sdelay $0x2  }
0x7f: {  	v2 =	vmul.f32 v2, v0;
	_ =	sdelay $0x1  }
0x80: {  	v1 =	vadd.f32 v1, v2  }
0x81: {  	v2 =	vld [tilespmem:s25+$0xFFFFFFA0]  }
0x82: {  	[tilespmem:s25+$0xFFFFFF90] =	vst v1  }
0x83: {  	v1 =	vld [tilespmem:s22+$0xFFFFFFA0];
	_ =	sdelay $0x2  }
0x84: {  	v2 =	vmul.f32 v2, v0;
	_ =	sdelay $0x1  }
0x85: {  	v1 =	vadd.f32 v1, v2  }
0x86: {  	v2 =	vld [tilespmem:s25+$0xFFFFFFB0]  }
0x87: {  	[tilespmem:s25+$0xFFFFFFA0] =	vst v1  }
0x88: {  	v1 =	vld [tilespmem:s22+$0xFFFFFFB0];
	_ =	sdelay $0x2  }
0x89: {  	v2 =	vmul.f32 v2, v0;
	_ =	sdelay $0x1  }
0x8a: {  	v1 =	vadd.f32 v1, v2  }
0x8b: {  	v2 =	vld [tilespmem:s25+$0xFFFFFFC0]  }
0x8c: {  	[tilespmem:s25+$0xFFFFFFB0] =	vst v1  }
0x8d: {  	v1 =	vld [tilespmem:s22+$0xFFFFFFC0];
	_ =	sdelay $0x2  }
0x8e: {  	v2 =	vmul.f32 v2, v0;
	_ =	sdelay $0x1  }
0x8f: {  	v1 =	vadd.f32 v1, v2  }
0x90: {  	v2 =	vld [tilespmem:s25+$0xFFFFFFD0]  }
0x91: {  	[tilespmem:s25+$0xFFFFFFC0] =	vst v1  }
0x92: {  	v1 =	vld [tilespmem:s22+$0xFFFFFFD0];
	_ =	sdelay $0x2  }
0x93: {  	v2 =	vmul.f32 v2, v0;
	_ =	sdelay $0x1  }
0x94: {  	v1 =	vadd.f32 v1, v2  }
0x95: {  	v2 =	vld [tilespmem:s25+$0xFFFFFFE0]  }
0x96: {  	[tilespmem:s25+$0xFFFFFFD0] =	vst v1  }
0x97: {  	v1 =	vld [tilespmem:s22+$0xFFFFFFE0];
	_ =	sdelay $0x2  }
0x98: {  	v2 =	vmul.f32 v2, v0;
	_ =	sdelay $0x1  }
0x99: {  	v1 =	vadd.f32 v1, v2  }
0x9a: {  	v2 =	vld [tilespmem:s25+$0xFFFFFFF0]  }
0x9b: {  	[tilespmem:s25+$0xFFFFFFE0] =	vst v1  }
0x9c: {  	v1 =	vld [tilespmem:s22+$0xFFFFFFF0];
	_ =	sdelay $0x2  }
0x9d: {  	v0 =	vmul.f32 v2, v0;
	_ =	sdelay $0x1  }
0x9e: {  	v0 =	vadd.f32 v1, v0;
	_ =	sdelay $0x1  }
0x9f: {  	[tilespmem:s25+$0xFFFFFFF0] =	vst v0;
	v0 =	vld [tilespmem:s25+$0x0]  }
0xa0: {  	v1 =	vld [tilespmem:s21+$0x0];
	_ =	sdelay $0x1  }
0xa1: {  	v2 =	vld [tilespmem:s22+$0x0];
	_ =	sdelay $0x2  }
0xa2: {  	v0 =	vmul.f32 v0, v1;
	_ =	sdelay $0x1  }
0xa3: {  	v0 =	vadd.f32 v2, v0  }
0xa4: {  	v2 =	vld [tilespmem:s25+$0x10]  }
0xa5: {  	[tilespmem:s25+$0x0] =	vst v0  }
0xa6: {  	v0 =	vld [tilespmem:s22+$0x10];
	_ =	sdelay $0x2  }
0xa7: {  	v2 =	vmul.f32 v2, v1;
	_ =	sdelay $0x1  }
0xa8: {  	v0 =	vadd.f32 v0, v2  }
0xa9: {  	v2 =	vld [tilespmem:s25+$0x20]  }
0xaa: {  	[tilespmem:s25+$0x10] =	vst v0  }
0xab: {  	v0 =	vld [tilespmem:s22+$0x20];
	_ =	sdelay $0x2  }
0xac: {  	v2 =	vmul.f32 v2, v1;
	_ =	sdelay $0x1  }
0xad: {  	v0 =	vadd.f32 v0, v2  }
0xae: {  	v2 =	vld [tilespmem:s25+$0x30]  }
0xaf: {  	[tilespmem:s25+$0x20] =	vst v0  }
0xb0: {  	v0 =	vld [tilespmem:s22+$0x30];
	_ =	sdelay $0x2  }
0xb1: {  	v2 =	vmul.f32 v2, v1;
	_ =	sdelay $0x1  }
0xb2: {  	v0 =	vadd.f32 v0, v2  }
0xb3: {  	v2 =	vld [tilespmem:s25+$0x40]  }
0xb4: {  	[tilespmem:s25+$0x30] =	vst v0  }
0xb5: {  	v0 =	vld [tilespmem:s22+$0x40];
	_ =	sdelay $0x2  }
0xb6: {  	v2 =	vmul.f32 v2, v1;
	_ =	sdelay $0x1  }
0xb7: {  	v0 =	vadd.f32 v0, v2  }
0xb8: {  	v2 =	vld [tilespmem:s25+$0x50]  }
0xb9: {  	[tilespmem:s25+$0x40] =	vst v0  }
0xba: {  	v0 =	vld [tilespmem:s22+$0x50];
	_ =	sdelay $0x2  }
0xbb: {  	v2 =	vmul.f32 v2, v1;
	_ =	sdelay $0x1  }
0xbc: {  	v0 =	vadd.f32 v0, v2  }
0xbd: {  	v2 =	vld [tilespmem:s25+$0x60]  }
0xbe: {  	[tilespmem:s25+$0x50] =	vst v0  }
0xbf: {  	v0 =	vld [tilespmem:s22+$0x60];
	_ =	sdelay $0x2  }
0xc0: {  	v2 =	vmul.f32 v2, v1;
	_ =	sdelay $0x1  }
0xc1: {  	v0 =	vadd.f32 v0, v2  }
0xc2: {  	v2 =	vld [tilespmem:s25+$0x70]  }
0xc3: {  	[tilespmem:s25+$0x60] =	vst v0  }
0xc4: {  	v0 =	vld [tilespmem:s22+$0x70];
	_ =	sdelay $0x1  }
.Ltmp0:
0xc5: {  	(pc) =	sbr.rel @p0 .LBB2_3-.Ltmp0, $3  }
0xc6: {  	v1 =	vmul.f32 v2, v1;
	_ =	sdelay $0x1  }
0xc7: {  	v0 =	vadd.f32 v0, v1  }
0xc8: {  	s25 =	sadd.s32 $0x100, s25  }
0xc9: {  	s19 =	sadd.s32 $0x1, s19  }
0xca: {  	p0 =	sne.s32 s19, $0x40  }
.Ltmp1:
0xcb: {  	[tilespmem:s23+$0x70] =	vst v0;
	s20 =	sadd.s32 s4, s20;
	(pc) =	sbr.rel @p0 .LBB2_2-.Ltmp1, $4  }
0xcc: {  	[hbm4b:s20+s5] =	stream.linear.scatter [tilespmem:s11], [sflag:$0x5], $0x4000, $0x38;
	[tilespmem:$0xC080] =	vst v63  }
0xcd: {  	_ =	swait.ge [sflag:s17], $0x4000  }
0xce: {  	[sflag:s17] =	ssyncset.done $0x0  }
0xcf: {  	[sflag:s17] =	ssyncadd.s32 $0xFFFFC000  }
0xd0: {  	s18 =	sadd.s32 $0x1, s18  }
0xd1: {  	p0 =	sne.s32 s18, s9  }
.Ltmp2:
0xd2: {  	_ = 	snop;
	(pc) =	sbr.rel @p0 .LBB2_1-.Ltmp2, $1  }
0xd3: {  	_ =	sdelay $0x3  }
0xd4: {  	_ =	sfence.sel $0x180000  }
0xd5: {  	[bflag:$0x0] =	sbarrier.arrive $0xFFFF  }
0xd6: {  	p0 =	sne.s32 s6, $0x0;
	_ =	strace $0x90000047  }
0xd7: {  	s0 =	sadd.s32 @!p0 $0x100000, s0;
	[bflag:$0x2] =	sbarrier.arrive $0xFFFF  }
0xd8: {  	[sflag:s0] =	ssyncadd.tile.s32 @!p0 $0x1;
	_ =	shalt  }
.Lfunc_end2:
_tile_overlayer_lowered:
.L_overlay_start_2:
0xd9: {  	(tag) =	ssettag $0x2  }
0xda: {  	s0 =	rddreg [dreg:$0x0];
	s2 =	stileid.u32  }
0xdb: {  	s1 =	rddreg [dreg:$0x1];
	p0 =	sne.s32 s2, $0x0  }
0xdc: {  	s3 =	rddreg [dreg:$0x2];
	[bflag:$0x3] =	sbarrier.arrive $0xFFFF;
	s2 =	simm.s32 @!p0 $0x1C05  }
0xdd: {  	[timem:s3], [sflag:s2] =	dma.local @!p0 [hbm:s0], s1  }
0xde: {  	s0 =	simm.s32 @!p0 $0x5  }
0xdf: {  	_ =	swait.ge @!p0 [sflag:s0], s1  }
0xe0: {  	s1 =	ssub.s32 @!p0 $0x0, s1;
	[sflag:s0] =	ssyncset.done @!p0 $0x0  }
0xe1: {  	[sflag:s0] =	ssyncadd.s32 @!p0 s1  }
0xe2: {  	[bflag:$0x3] =	sbarrier.arrive $0xFFFF  }
0xe3: {  	_ =	shalt  }

</sc_bundles>
